<compile_context>
chip_gen: v7x
topology: tpu7x:2x2x1
jax: 0.10.2.dev20260603
libtpu: 0.0.44.dev20260713+nightly
codegen_flags: <defaults>
</compile_context>

<pallas_src>
import functools

import jax
import jax.numpy as jnp
from jax import lax
from jax.experimental import pallas as pl
from jax.experimental.pallas import tpu as pltpu
from jax.experimental.pallas import tpu_sc as plsc

EMBED = 32
G1 = 1024
NS1 = 3
GB = 4
NC = 3
NW = 32


def _mesh_and_cores():
    info = plsc.get_sparse_core_info()
    mesh = plsc.VectorSubcoreMesh(core_axis_name="c", subcore_axis_name="s")
    return mesh, info.num_cores


@functools.partial(jax.jit, static_argnums=(2,))
def _sc_gather(idx_flat, table, tok_per_w):
    n_tok = idx_flat.shape[0]
    groups = tok_per_w // G1
    mesh, nc = _mesh_and_cores()

    @functools.partial(
        pl.kernel,
        mesh=mesh,
        out_type=jax.ShapeDtypeStruct((n_tok, EMBED), jnp.float32),
        scratch_types=[
            pltpu.VMEM((NS1, G1), jnp.int32),
            pltpu.VMEM((NS1, G1, EMBED), jnp.float32),
            pltpu.SemaphoreType.DMA((NS1,)),
            pltpu.SemaphoreType.DMA((NS1,)),
            pltpu.SemaphoreType.DMA((NS1,)),
        ],
        compiler_params=pltpu.CompilerParams(use_tc_tiling_on_sc=False),
    )
    def k(idx_hbm, table_hbm, out_hbm, idx_v, rows_v, isem, gsem, ssem):
        wid = lax.axis_index("s") * nc + lax.axis_index("c")
        base_tok = wid * tok_per_w

        def wait_store(sl):
            pltpu.make_async_copy(
                rows_v.at[sl], out_hbm.at[pl.ds(0, G1)], ssem.at[sl]
            ).wait()

        def wait_idx(sl):
            pltpu.make_async_copy(
                idx_hbm.at[pl.ds(0, G1)], idx_v.at[sl], isem.at[sl]
            ).wait()

        def fire_idx(g, sl):
            t0 = base_tok + jnp.minimum(g, groups - 1) * G1
            pltpu.async_copy(
                idx_hbm.at[pl.ds(t0, G1)], idx_v.at[sl], isem.at[sl]
            )

        fire_idx(0, 0)

        def body(g, carry):
            sl = lax.rem(g, NS1)
            sl_next = lax.rem(g + 1, NS1)

            @pl.when(g >= NS1)
            def _():
                wait_store(sl)

            wait_idx(sl)
            gather = pltpu.async_copy(
                table_hbm.at[idx_v.at[sl]], rows_v.at[sl], gsem.at[sl]
            )
            fire_idx(g + 1, sl_next)
            gather.wait()
            pltpu.async_copy(
                rows_v.at[sl],
                out_hbm.at[pl.ds(base_tok + g * G1, G1)],
                ssem.at[sl],
            )
            return carry

        lax.fori_loop(0, groups, body, 0)

        for sl in range(NS1):
            wait_store(sl)
        wait_idx(groups % NS1)

    return k(idx_flat, table)


@functools.partial(jax.jit, static_argnums=(1, 2))
def _sc_format(y128, b, s):
    yrows_per_b = s * EMBED // 128
    batches_per_w = b // NW
    groups = batches_per_w // GB
    yg = GB * yrows_per_b
    mesh, nc = _mesh_and_cores()

    @functools.partial(
        pl.kernel,
        mesh=mesh,
        out_type=jax.ShapeDtypeStruct((b * s, EMBED), jnp.float32),
        scratch_types=[
            pltpu.VMEM((2, yg, 128), jnp.float32),
            pltpu.VMEM((NC, s, EMBED), jnp.float32),
            pltpu.SemaphoreType.DMA((2,)),
            pltpu.SemaphoreType.DMA((NC,)),
        ],
        compiler_params=pltpu.CompilerParams(use_tc_tiling_on_sc=True),
    )
    def k(y_hbm, out_hbm, y_v, cmp_v, ysem, ssem):
        wid = lax.axis_index("s") * nc + lax.axis_index("c")
        base_b = wid * batches_per_w
        base_y = base_b * yrows_per_b

        def wait_store(cs):
            pltpu.make_async_copy(
                cmp_v.at[cs], out_hbm.at[pl.ds(0, s)], ssem.at[cs]
            ).wait()

        def wait_y(ys):
            pltpu.make_async_copy(
                y_hbm.at[pl.ds(0, yg)], y_v.at[ys], ysem.at[ys]
            ).wait()

        def fire_y(g, ys):
            r0 = base_y + jnp.minimum(g, groups - 1) * yg
            pltpu.async_copy(
                y_hbm.at[pl.ds(r0, yg)], y_v.at[ys], ysem.at[ys]
            )

        fire_y(0, 0)

        def body(g, carry):
            ys = lax.rem(g, 2)
            wait_y(ys)
            fire_y(g + 1, lax.rem(g + 1, 2))
            for jb in range(GB):
                i = g * GB + jb
                cs = lax.rem(i, NC)

                @pl.when(i >= NC)
                def _():
                    wait_store(cs)

                def rows2(rb, carry2):
                    for rr in range(2):
                        r = rb * 2 + rr
                        yr = jb * yrows_per_b + r
                        for q in range(4):
                            t = r * 4 + q
                            cmp_v[cs, t, pl.ds(0, 16)] = y_v[
                                ys, yr, pl.ds(q * 32, 16)
                            ]
                            cmp_v[cs, t, pl.ds(16, 16)] = y_v[
                                ys, yr, pl.ds(q * 32 + 16, 16)
                            ]
                    return carry2

                lax.fori_loop(0, yrows_per_b // 2, rows2, 0)
                pltpu.async_copy(
                    cmp_v.at[cs],
                    out_hbm.at[pl.ds((base_b + i) * s, s)],
                    ssem.at[cs],
                )
            return carry

        lax.fori_loop(0, groups, body, 0)

        for cs in range(NC):
            wait_store(cs)
        wait_y(groups % 2)

    return k(y128)


def kernel(idx, embedding_table):
    b, s = idx.shape
    n_tok = b * s
    assert n_tok % (NW * G1) == 0 and (s * EMBED) % 128 == 0
    idx_flat = idx.astype(jnp.int32).reshape(n_tok)
    y = _sc_gather(idx_flat, embedding_table, n_tok // NW)
    y128 = y.reshape(n_tok * EMBED // 128, 128)
    return _sc_format(y128, b, s).reshape(b, s, EMBED)

# --- scband reference (transcript-rebuilt; emitter-appended) ---
"""Pipeline reference for scband-embedding-layer-16381005267275 (READ-ONLY COPY).

The authoritative reference and input builder live on the scoring server;
editing this copy changes nothing except your own understanding.
"""

import jax, jax.numpy as jnp
import numpy as np
import math

KEY_SIZE = 1000000
EMBED_SIZE = 32
PAD_IDX = 0

def setup_inputs(seed: int = 0) -> dict:
    key = jax.random.key(seed)
    k_idx, k_tab = jax.random.split(key)
    idx = jax.random.randint(k_idx, (16384, 200), 0, KEY_SIZE, dtype=jnp.int64 if jax.config.jax_enable_x64 else jnp.int32)
    table = jax.random.normal(k_tab, (KEY_SIZE, EMBED_SIZE), dtype=jnp.float32) * (1.0 / math.sqrt(EMBED_SIZE))
    table = table.at[PAD_IDX].set(0.0)
    return {"idx": idx, "embedding_table": table}

def reference(idx, embedding_table):
    idx = idx.astype(jnp.int32)
    out = jnp.take(embedding_table, idx, axis=0)
    mask = (idx == PAD_IDX)[..., None]
    out = jnp.where(mask, 0.0, out)
    return out

if __name__ == "__main__":
    import jax
    _d = setup_inputs()
    print(jax.jit(kernel)(*tuple(_d.values())))

</pallas_src>

<mosaic_0001>
#map = affine_map<(d0, d1) -> (0)>
#map1 = affine_map<(d0, d1) -> (0, 0)>
module attributes {stable_mosaic.version = 14 : i64} {
  func.func @k(%arg0: i32, %arg1: i32, %arg2: memref<3276800xi32, #tpu.memory_space<hbm>>, %arg3: memref<1000000x32xf32, #tpu.memory_space<hbm>>, %arg4: memref<3276800x32xf32, #tpu.memory_space<hbm>>, %arg5: memref<3x1024xi32, #tpu.memory_space<vmem>>, %arg6: memref<3x1024x32xf32, #tpu.memory_space<vmem>>, %arg7: memref<3x!tpu.dma_semaphore, #tpu.memory_space<semaphore_mem>>, %arg8: memref<3x!tpu.dma_semaphore, #tpu.memory_space<semaphore_mem>>, %arg9: memref<3x!tpu.dma_semaphore, #tpu.memory_space<semaphore_mem>>) attributes {dimension_semantics = [#tpu.dimension_semantics<core_parallel>, #tpu.dimension_semantics<subcore_parallel>], iteration_bounds = array<i64: 2, 16>, scalar_prefetch = 0 : i64, scratch_operands = 5 : i64, tpu.core_type = #tpu.core_type<sc_vector_subcore>, window_params = [{transform_indices = #map}, {transform_indices = #map1}, {transform_indices = #map1}]} {
    %mul3A = arith.constant 2 : i32
    %mul3A_0 = arith.muli %arg1, %mul3A : i32
    %add3A = arith.addi %mul3A_0, %arg0 : i32
    %mul3A_1 = arith.constant 102400 : i32
    %mul3A_2 = arith.muli %add3A, %mul3A_1 : i32
    %min3A = arith.constant 0 : i32
    %min3A_3 = arith.constant 99 : i32
    %min3A_4 = arith.minsi %min3A, %min3A_3 : i32
    %mul3A_5 = arith.constant 1024 : i32
    %mul3A_6 = arith.muli %min3A_4, %mul3A_5 : i32
    %add3A_7 = arith.addi %mul3A_2, %mul3A_6 : i32
    %dma_start3A = arith.constant 0 : i32
    %dma_start3A_8 = arith.constant 0 : i32
    %dma_start3A_9 = arith.constant 0 : i32
    %dma_start3A_10 = tpu.memref_slice %arg5[%dma_start3A, %dma_start3A_9] : memref<3x1024xi32, #tpu.memory_space<vmem>> -> memref<1x1024xi32, #tpu.memory_space<vmem>>
    %dma_start3A_11 = tpu.memref_squeeze %dma_start3A_10 : memref<1x1024xi32, #tpu.memory_space<vmem>> -> memref<1024xi32, #tpu.memory_space<vmem>>
    %dma_start3A_12 = tpu.memref_slice %arg2[%add3A_7] : memref<3276800xi32, #tpu.memory_space<hbm>> -> memref<1024xi32, #tpu.memory_space<hbm>>
    %dma_start3A_13 = tpu.memref_slice %arg7[%dma_start3A_8] : memref<3x!tpu.dma_semaphore, #tpu.memory_space<semaphore_mem>> -> memref<1x!tpu.dma_semaphore, #tpu.memory_space<semaphore_mem>>
    %dma_start3A_14 = tpu.memref_squeeze %dma_start3A_13 : memref<1x!tpu.dma_semaphore, #tpu.memory_space<semaphore_mem>> -> memref<!tpu.dma_semaphore, #tpu.memory_space<semaphore_mem>>
    %dma_start3A_15 = arith.constant 0 : i32
    %dma_start3A_16 = tpu.memref_slice %arg5[%dma_start3A, %dma_start3A_15] : memref<3x1024xi32, #tpu.memory_space<vmem>> -> memref<1x1024xi32, #tpu.memory_space<vmem>>
    %dma_start3A_17 = tpu.memref_squeeze %dma_start3A_16 : memref<1x1024xi32, #tpu.memory_space<vmem>> -> memref<1024xi32, #tpu.memory_space<vmem>>
    %dma_start3A_18 = tpu.memref_slice %arg2[%add3A_7] : memref<3276800xi32, #tpu.memory_space<hbm>> -> memref<1024xi32, #tpu.memory_space<hbm>>
    tpu.enqueue_dma source(%dma_start3A_18 : memref<1024xi32, #tpu.memory_space<hbm>>) target(%dma_start3A_17 : memref<1024xi32, #tpu.memory_space<vmem>>) target_semaphore(%dma_start3A_14 : memref<!tpu.dma_semaphore, #tpu.memory_space<semaphore_mem>>)
    %scan3A = arith.constant 0 : i32
    %scan3A_19 = arith.constant 0 : i32
    %scan3A_20 = arith.constant 100 : i32
    %scan3A_21 = arith.addi %scan3A_19, %scan3A_20 : i32
    %scan3A_22 = arith.constant 1 : i32
    scf.for %scan3A_91 = %scan3A_19 to %scan3A_21 step %scan3A_22  : i32 {
      %rem3A = arith.constant 3 : i32
      %rem3A_92 = arith.remsi %scan3A_91, %rem3A : i32
      %add3A_93 = arith.constant 1 : i32
      %add3A_94 = arith.addi %scan3A_91, %add3A_93 : i32
      %rem3A_95 = arith.constant 3 : i32
      %rem3A_96 = arith.remsi %add3A_94, %rem3A_95 : i32
      %ge3A = arith.constant 3 : i32
      %ge3A_97 = arith.cmpi sge, %scan3A_91, %ge3A : i32
      %convert_element_type3A = arith.extui %ge3A_97 : i1 to i32
      %cond3A = arith.constant 0 : i32
      %cond3A_98 = arith.cmpi ne, %convert_element_type3A, %cond3A : i32
      scf.if %cond3A_98 {
        %dma_wait3A_169 = arith.constant 0 : i32
        %dma_wait3A_170 = arith.constant 0 : i32
        %dma_wait3A_171 = tpu.memref_slice %arg6[%rem3A_92, %dma_wait3A_169, %dma_wait3A_170] : memref<3x1024x32xf32, #tpu.memory_space<vmem>> -> memref<1x1024x32xf32, #tpu.memory_space<vmem>>
        %dma_wait3A_172 = tpu.memref_squeeze %dma_wait3A_171 : memref<1x1024x32xf32, #tpu.memory_space<vmem>> -> memref<1024x32xf32, #tpu.memory_space<vmem>>
        %dma_wait3A_173 = arith.constant 0 : i32
        %dma_wait3A_174 = arith.constant 0 : i32
        %dma_wait3A_175 = tpu.memref_slice %arg4[%dma_wait3A_173, %dma_wait3A_174] : memref<3276800x32xf32, #tpu.memory_space<hbm>> -> memref<1024x32xf32, #tpu.memory_space<hbm>>
        %dma_wait3A_176 = tpu.memref_slice %arg9[%rem3A_92] : memref<3x!tpu.dma_semaphore, #tpu.memory_space<semaphore_mem>> -> memref<1x!tpu.dma_semaphore, #tpu.memory_space<semaphore_mem>>
        %dma_wait3A_177 = tpu.memref_squeeze %dma_wait3A_176 : memref<1x!tpu.dma_semaphore, #tpu.memory_space<semaphore_mem>> -> memref<!tpu.dma_semaphore, #tpu.memory_space<semaphore_mem>>
        %dma_wait3A_178 = arith.constant 0 : i32
        %dma_wait3A_179 = arith.constant 0 : i32
        %dma_wait3A_180 = tpu.memref_slice %arg4[%dma_wait3A_178, %dma_wait3A_179] : memref<3276800x32xf32, #tpu.memory_space<hbm>> -> memref<1024x32xf32, #tpu.memory_space<hbm>>
        %dma_wait3A_181 = arith.constant 0 : i32
        %dma_wait3A_182 = arith.constant 0 : i32
        %dma_wait3A_183 = tpu.memref_slice %arg6[%rem3A_92, %dma_wait3A_181, %dma_wait3A_182] : memref<3x1024x32xf32, #tpu.memory_space<vmem>> -> memref<1x1024x32xf32, #tpu.memory_space<vmem>>
        %dma_wait3A_184 = tpu.memref_squeeze %dma_wait3A_183 : memref<1x1024x32xf32, #tpu.memory_space<vmem>> -> memref<1024x32xf32, #tpu.memory_space<vmem>>
        tpu.wait_dma2 semaphore(%dma_wait3A_177 : memref<!tpu.dma_semaphore, #tpu.memory_space<semaphore_mem>>) src(%dma_wait3A_184 : memref<1024x32xf32, #tpu.memory_space<vmem>>) dst(%dma_wait3A_180 : memref<1024x32xf32, #tpu.memory_space<hbm>>)
      } else {
      }
      %dma_wait3A_99 = arith.constant 0 : i32
      %dma_wait3A_100 = tpu.memref_slice %arg5[%rem3A_92, %dma_wait3A_99] : memref<3x1024xi32, #tpu.memory_space<vmem>> -> memref<1x1024xi32, #tpu.memory_space<vmem>>
      %dma_wait3A_101 = tpu.memref_squeeze %dma_wait3A_100 : memref<1x1024xi32, #tpu.memory_space<vmem>> -> memref<1024xi32, #tpu.memory_space<vmem>>
      %dma_wait3A_102 = arith.constant 0 : i32
      %dma_wait3A_103 = tpu.memref_slice %arg2[%dma_wait3A_102] : memref<3276800xi32, #tpu.memory_space<hbm>> -> memref<1024xi32, #tpu.memory_space<hbm>>
      %dma_wait3A_104 = tpu.memref_slice %arg7[%rem3A_92] : memref<3x!tpu.dma_semaphore, #tpu.memory_space<semaphore_mem>> -> memref<1x!tpu.dma_semaphore, #tpu.memory_space<semaphore_mem>>
      %dma_wait3A_105 = tpu.memref_squeeze %dma_wait3A_104 : memref<1x!tpu.dma_semaphore, #tpu.memory_space<semaphore_mem>> -> memref<!tpu.dma_semaphore, #tpu.memory_space<semaphore_mem>>
      %dma_wait3A_106 = arith.constant 0 : i32
      %dma_wait3A_107 = tpu.memref_slice %arg5[%rem3A_92, %dma_wait3A_106] : memref<3x1024xi32, #tpu.memory_space<vmem>> -> memref<1x1024xi32, #tpu.memory_space<vmem>>
      %dma_wait3A_108 = tpu.memref_squeeze %dma_wait3A_107 : memref<1x1024xi32, #tpu.memory_space<vmem>> -> memref<1024xi32, #tpu.memory_space<vmem>>
      %dma_wait3A_109 = arith.constant 0 : i32
      %dma_wait3A_110 = tpu.memref_slice %arg2[%dma_wait3A_109] : memref<3276800xi32, #tpu.memory_space<hbm>> -> memref<1024xi32, #tpu.memory_space<hbm>>
      tpu.wait_dma2 semaphore(%dma_wait3A_105 : memref<!tpu.dma_semaphore, #tpu.memory_space<semaphore_mem>>) src(%dma_wait3A_110 : memref<1024xi32, #tpu.memory_space<hbm>>) dst(%dma_wait3A_108 : memref<1024xi32, #tpu.memory_space<vmem>>)
      %dma_start3A_111 = arith.constant 0 : i32
      %dma_start3A_112 = arith.constant 0 : i32
      %dma_start3A_113 = tpu.memref_slice %arg6[%rem3A_92, %dma_start3A_111, %dma_start3A_112] : memref<3x1024x32xf32, #tpu.memory_space<vmem>> -> memref<1x1024x32xf32, #tpu.memory_space<vmem>>
      %dma_start3A_114 = tpu.memref_squeeze %dma_start3A_113 : memref<1x1024x32xf32, #tpu.memory_space<vmem>> -> memref<1024x32xf32, #tpu.memory_space<vmem>>
      %dma_start3A_115 = arith.constant 0 : i32
      %dma_start3A_116 = tpu.memref_slice %arg5[%rem3A_92, %dma_start3A_115] : memref<3x1024xi32, #tpu.memory_space<vmem>> -> memref<1x1024xi32, #tpu.memory_space<vmem>>
      %dma_start3A_117 = tpu.memref_squeeze %dma_start3A_116 : memref<1x1024xi32, #tpu.memory_space<vmem>> -> memref<1024xi32, #tpu.memory_space<vmem>>
      %dma_start3A_118 = arith.constant 0 : i32
      %dma_start3A_119 = arith.constant 0 : i32
      %dma_start3A_120 = tpu.memref_slice %arg3[%dma_start3A_118, %dma_start3A_119] : memref<1000000x32xf32, #tpu.memory_space<hbm>> -> memref<1000000x32xf32, #tpu.memory_space<hbm>>
      %dma_start3A_121 = tpu.memref_slice %arg8[%rem3A_92] : memref<3x!tpu.dma_semaphore, #tpu.memory_space<semaphore_mem>> -> memref<1x!tpu.dma_semaphore, #tpu.memory_space<semaphore_mem>>
      %dma_start3A_122 = tpu.memref_squeeze %dma_start3A_121 : memref<1x!tpu.dma_semaphore, #tpu.memory_space<semaphore_mem>> -> memref<!tpu.dma_semaphore, #tpu.memory_space<semaphore_mem>>
      tpu.enqueue_indirect_dma source(%dma_start3A_120 : memref<1000000x32xf32, #tpu.memory_space<hbm>>) target(%dma_start3A_114 : memref<1024x32xf32, #tpu.memory_space<vmem>>) offsets(%dma_start3A_117 : memref<1024xi32, #tpu.memory_space<vmem>>) semaphore(%dma_start3A_122 : memref<!tpu.dma_semaphore, #tpu.memory_space<semaphore_mem>>)
      %add3A_123 = arith.constant 1 : i32
      %add3A_124 = arith.addi %scan3A_91, %add3A_123 : i32
      %min3A_125 = arith.constant 99 : i32
      %min3A_126 = arith.minsi %add3A_124, %min3A_125 : i32
      %mul3A_127 = arith.constant 1024 : i32
      %mul3A_128 = arith.muli %min3A_126, %mul3A_127 : i32
      %add3A_129 = arith.addi %mul3A_2, %mul3A_128 : i32
      %dma_start3A_130 = arith.constant 0 : i32
      %dma_start3A_131 = tpu.memref_slice %arg5[%rem3A_96, %dma_start3A_130] : memref<3x1024xi32, #tpu.memory_space<vmem>> -> memref<1x1024xi32, #tpu.memory_space<vmem>>
      %dma_start3A_132 = tpu.memref_squeeze %dma_start3A_131 : memref<1x1024xi32, #tpu.memory_space<vmem>> -> memref<1024xi32, #tpu.memory_space<vmem>>
      %dma_start3A_133 = tpu.memref_slice %arg2[%add3A_129] : memref<3276800xi32, #tpu.memory_space<hbm>> -> memref<1024xi32, #tpu.memory_space<hbm>>
      %dma_start3A_134 = tpu.memref_slice %arg7[%rem3A_96] : memref<3x!tpu.dma_semaphore, #tpu.memory_space<semaphore_mem>> -> memref<1x!tpu.dma_semaphore, #tpu.memory_space<semaphore_mem>>
      %dma_start3A_135 = tpu.memref_squeeze %dma_start3A_134 : memref<1x!tpu.dma_semaphore, #tpu.memory_space<semaphore_mem>> -> memref<!tpu.dma_semaphore, #tpu.memory_space<semaphore_mem>>
      %dma_start3A_136 = arith.constant 0 : i32
      %dma_start3A_137 = tpu.memref_slice %arg5[%rem3A_96, %dma_start3A_136] : memref<3x1024xi32, #tpu.memory_space<vmem>> -> memref<1x1024xi32, #tpu.memory_space<vmem>>
      %dma_start3A_138 = tpu.memref_squeeze %dma_start3A_137 : memref<1x1024xi32, #tpu.memory_space<vmem>> -> memref<1024xi32, #tpu.memory_space<vmem>>
      %dma_start3A_139 = tpu.memref_slice %arg2[%add3A_129] : memref<3276800xi32, #tpu.memory_space<hbm>> -> memref<1024xi32, #tpu.memory_space<hbm>>
      tpu.enqueue_dma source(%dma_start3A_139 : memref<1024xi32, #tpu.memory_space<hbm>>) target(%dma_start3A_138 : memref<1024xi32, #tpu.memory_space<vmem>>) target_semaphore(%dma_start3A_135 : memref<!tpu.dma_semaphore, #tpu.memory_space<semaphore_mem>>)
      %dma_wait3A_140 = arith.constant 0 : i32
      %dma_wait3A_141 = arith.constant 0 : i32
      %dma_wait3A_142 = tpu.memref_slice %arg6[%rem3A_92, %dma_wait3A_140, %dma_wait3A_141] : memref<3x1024x32xf32, #tpu.memory_space<vmem>> -> memref<1x1024x32xf32, #tpu.memory_space<vmem>>
      %dma_wait3A_143 = tpu.memref_squeeze %dma_wait3A_142 : memref<1x1024x32xf32, #tpu.memory_space<vmem>> -> memref<1024x32xf32, #tpu.memory_space<vmem>>
      %dma_wait3A_144 = arith.constant 0 : i32
      %dma_wait3A_145 = tpu.memref_slice %arg5[%rem3A_92, %dma_wait3A_144] : memref<3x1024xi32, #tpu.memory_space<vmem>> -> memref<1x1024xi32, #tpu.memory_space<vmem>>
      %dma_wait3A_146 = tpu.memref_squeeze %dma_wait3A_145 : memref<1x1024xi32, #tpu.memory_space<vmem>> -> memref<1024xi32, #tpu.memory_space<vmem>>
      %dma_wait3A_147 = arith.constant 0 : i32
      %dma_wait3A_148 = arith.constant 0 : i32
      %dma_wait3A_149 = tpu.memref_slice %arg3[%dma_wait3A_147, %dma_wait3A_148] : memref<1000000x32xf32, #tpu.memory_space<hbm>> -> memref<1000000x32xf32, #tpu.memory_space<hbm>>
      %dma_wait3A_150 = tpu.memref_slice %arg8[%rem3A_92] : memref<3x!tpu.dma_semaphore, #tpu.memory_space<semaphore_mem>> -> memref<1x!tpu.dma_semaphore, #tpu.memory_space<semaphore_mem>>
      %dma_wait3A_151 = tpu.memref_squeeze %dma_wait3A_150 : memref<1x!tpu.dma_semaphore, #tpu.memory_space<semaphore_mem>> -> memref<!tpu.dma_semaphore, #tpu.memory_space<semaphore_mem>>
      tpu.wait_indirect_dma semaphore(%dma_wait3A_151 : memref<!tpu.dma_semaphore, #tpu.memory_space<semaphore_mem>>) src(%dma_wait3A_149 : memref<1000000x32xf32, #tpu.memory_space<hbm>>) dst(%dma_wait3A_143 : memref<1024x32xf32, #tpu.memory_space<vmem>>)
      %mul3A_152 = arith.constant 1024 : i32
      %mul3A_153 = arith.muli %scan3A_91, %mul3A_152 : i32
      %add3A_154 = arith.addi %mul3A_2, %mul3A_153 : i32
      %dma_start3A_155 = arith.constant 0 : i32
      %dma_start3A_156 = arith.constant 0 : i32
      %dma_start3A_157 = tpu.memref_slice %arg6[%rem3A_92, %dma_start3A_155, %dma_start3A_156] : memref<3x1024x32xf32, #tpu.memory_space<vmem>> -> memref<1x1024x32xf32, #tpu.memory_space<vmem>>
      %dma_start3A_158 = tpu.memref_squeeze %dma_start3A_157 : memref<1x1024x32xf32, #tpu.memory_space<vmem>> -> memref<1024x32xf32, #tpu.memory_space<vmem>>
      %dma_start3A_159 = arith.constant 0 : i32
      %dma_start3A_160 = tpu.memref_slice %arg4[%add3A_154, %dma_start3A_159] : memref<3276800x32xf32, #tpu.memory_space<hbm>> -> memref<1024x32xf32, #tpu.memory_space<hbm>>
      %dma_start3A_161 = tpu.memref_slice %arg9[%rem3A_92] : memref<3x!tpu.dma_semaphore, #tpu.memory_space<semaphore_mem>> -> memref<1x!tpu.dma_semaphore, #tpu.memory_space<semaphore_mem>>
      %dma_start3A_162 = tpu.memref_squeeze %dma_start3A_161 : memref<1x!tpu.dma_semaphore, #tpu.memory_space<semaphore_mem>> -> memref<!tpu.dma_semaphore, #tpu.memory_space<semaphore_mem>>
      %dma_start3A_163 = arith.constant 0 : i32
      %dma_start3A_164 = tpu.memref_slice %arg4[%add3A_154, %dma_start3A_163] : memref<3276800x32xf32, #tpu.memory_space<hbm>> -> memref<1024x32xf32, #tpu.memory_space<hbm>>
      %dma_start3A_165 = arith.constant 0 : i32
      %dma_start3A_166 = arith.constant 0 : i32
      %dma_start3A_167 = tpu.memref_slice %arg6[%rem3A_92, %dma_start3A_165, %dma_start3A_166] : memref<3x1024x32xf32, #tpu.memory_space<vmem>> -> memref<1x1024x32xf32, #tpu.memory_space<vmem>>
      %dma_start3A_168 = tpu.memref_squeeze %dma_start3A_167 : memref<1x1024x32xf32, #tpu.memory_space<vmem>> -> memref<1024x32xf32, #tpu.memory_space<vmem>>
      tpu.enqueue_dma source(%dma_start3A_168 : memref<1024x32xf32, #tpu.memory_space<vmem>>) target(%dma_start3A_164 : memref<1024x32xf32, #tpu.memory_space<hbm>>) target_semaphore(%dma_start3A_162 : memref<!tpu.dma_semaphore, #tpu.memory_space<semaphore_mem>>)
    }
    %scan3A_23 = arith.constant 100 : i32
    %dma_wait3A = arith.constant 0 : i32
    %dma_wait3A_24 = arith.constant 0 : i32
    %dma_wait3A_25 = arith.constant 0 : i32
    %dma_wait3A_26 = arith.constant 0 : i32
    %dma_wait3A_27 = tpu.memref_slice %arg6[%dma_wait3A, %dma_wait3A_25, %dma_wait3A_26] : memref<3x1024x32xf32, #tpu.memory_space<vmem>> -> memref<1x1024x32xf32, #tpu.memory_space<vmem>>
    %dma_wait3A_28 = tpu.memref_squeeze %dma_wait3A_27 : memref<1x1024x32xf32, #tpu.memory_space<vmem>> -> memref<1024x32xf32, #tpu.memory_space<vmem>>
    %dma_wait3A_29 = arith.constant 0 : i32
    %dma_wait3A_30 = arith.constant 0 : i32
    %dma_wait3A_31 = tpu.memref_slice %arg4[%dma_wait3A_29, %dma_wait3A_30] : memref<3276800x32xf32, #tpu.memory_space<hbm>> -> memref<1024x32xf32, #tpu.memory_space<hbm>>
    %dma_wait3A_32 = tpu.memref_slice %arg9[%dma_wait3A_24] : memref<3x!tpu.dma_semaphore, #tpu.memory_space<semaphore_mem>> -> memref<1x!tpu.dma_semaphore, #tpu.memory_space<semaphore_mem>>
    %dma_wait3A_33 = tpu.memref_squeeze %dma_wait3A_32 : memref<1x!tpu.dma_semaphore, #tpu.memory_space<semaphore_mem>> -> memref<!tpu.dma_semaphore, #tpu.memory_space<semaphore_mem>>
    %dma_wait3A_34 = arith.constant 0 : i32
    %dma_wait3A_35 = arith.constant 0 : i32
    %dma_wait3A_36 = tpu.memref_slice %arg4[%dma_wait3A_34, %dma_wait3A_35] : memref<3276800x32xf32, #tpu.memory_space<hbm>> -> memref<1024x32xf32, #tpu.memory_space<hbm>>
    %dma_wait3A_37 = arith.constant 0 : i32
    %dma_wait3A_38 = arith.constant 0 : i32
    %dma_wait3A_39 = tpu.memref_slice %arg6[%dma_wait3A, %dma_wait3A_37, %dma_wait3A_38] : memref<3x1024x32xf32, #tpu.memory_space<vmem>> -> memref<1x1024x32xf32, #tpu.memory_space<vmem>>
    %dma_wait3A_40 = tpu.memref_squeeze %dma_wait3A_39 : memref<1x1024x32xf32, #tpu.memory_space<vmem>> -> memref<1024x32xf32, #tpu.memory_space<vmem>>
    tpu.wait_dma2 semaphore(%dma_wait3A_33 : memref<!tpu.dma_semaphore, #tpu.memory_space<semaphore_mem>>) src(%dma_wait3A_40 : memref<1024x32xf32, #tpu.memory_space<vmem>>) dst(%dma_wait3A_36 : memref<1024x32xf32, #tpu.memory_space<hbm>>)
    %dma_wait3A_41 = arith.constant 1 : i32
    %dma_wait3A_42 = arith.constant 1 : i32
    %dma_wait3A_43 = arith.constant 0 : i32
    %dma_wait3A_44 = arith.constant 0 : i32
    %dma_wait3A_45 = tpu.memref_slice %arg6[%dma_wait3A_41, %dma_wait3A_43, %dma_wait3A_44] : memref<3x1024x32xf32, #tpu.memory_space<vmem>> -> memref<1x1024x32xf32, #tpu.memory_space<vmem>>
    %dma_wait3A_46 = tpu.memref_squeeze %dma_wait3A_45 : memref<1x1024x32xf32, #tpu.memory_space<vmem>> -> memref<1024x32xf32, #tpu.memory_space<vmem>>
    %dma_wait3A_47 = arith.constant 0 : i32
    %dma_wait3A_48 = arith.constant 0 : i32
    %dma_wait3A_49 = tpu.memref_slice %arg4[%dma_wait3A_47, %dma_wait3A_48] : memref<3276800x32xf32, #tpu.memory_space<hbm>> -> memref<1024x32xf32, #tpu.memory_space<hbm>>
    %dma_wait3A_50 = tpu.memref_slice %arg9[%dma_wait3A_42] : memref<3x!tpu.dma_semaphore, #tpu.memory_space<semaphore_mem>> -> memref<1x!tpu.dma_semaphore, #tpu.memory_space<semaphore_mem>>
    %dma_wait3A_51 = tpu.memref_squeeze %dma_wait3A_50 : memref<1x!tpu.dma_semaphore, #tpu.memory_space<semaphore_mem>> -> memref<!tpu.dma_semaphore, #tpu.memory_space<semaphore_mem>>
    %dma_wait3A_52 = arith.constant 0 : i32
    %dma_wait3A_53 = arith.constant 0 : i32
    %dma_wait3A_54 = tpu.memref_slice %arg4[%dma_wait3A_52, %dma_wait3A_53] : memref<3276800x32xf32, #tpu.memory_space<hbm>> -> memref<1024x32xf32, #tpu.memory_space<hbm>>
    %dma_wait3A_55 = arith.constant 0 : i32
    %dma_wait3A_56 = arith.constant 0 : i32
    %dma_wait3A_57 = tpu.memref_slice %arg6[%dma_wait3A_41, %dma_wait3A_55, %dma_wait3A_56] : memref<3x1024x32xf32, #tpu.memory_space<vmem>> -> memref<1x1024x32xf32, #tpu.memory_space<vmem>>
    %dma_wait3A_58 = tpu.memref_squeeze %dma_wait3A_57 : memref<1x1024x32xf32, #tpu.memory_space<vmem>> -> memref<1024x32xf32, #tpu.memory_space<vmem>>
    tpu.wait_dma2 semaphore(%dma_wait3A_51 : memref<!tpu.dma_semaphore, #tpu.memory_space<semaphore_mem>>) src(%dma_wait3A_58 : memref<1024x32xf32, #tpu.memory_space<vmem>>) dst(%dma_wait3A_54 : memref<1024x32xf32, #tpu.memory_space<hbm>>)
    %dma_wait3A_59 = arith.constant 2 : i32
    %dma_wait3A_60 = arith.constant 2 : i32
    %dma_wait3A_61 = arith.constant 0 : i32
    %dma_wait3A_62 = arith.constant 0 : i32
    %dma_wait3A_63 = tpu.memref_slice %arg6[%dma_wait3A_59, %dma_wait3A_61, %dma_wait3A_62] : memref<3x1024x32xf32, #tpu.memory_space<vmem>> -> memref<1x1024x32xf32, #tpu.memory_space<vmem>>
    %dma_wait3A_64 = tpu.memref_squeeze %dma_wait3A_63 : memref<1x1024x32xf32, #tpu.memory_space<vmem>> -> memref<1024x32xf32, #tpu.memory_space<vmem>>
    %dma_wait3A_65 = arith.constant 0 : i32
    %dma_wait3A_66 = arith.constant 0 : i32
    %dma_wait3A_67 = tpu.memref_slice %arg4[%dma_wait3A_65, %dma_wait3A_66] : memref<3276800x32xf32, #tpu.memory_space<hbm>> -> memref<1024x32xf32, #tpu.memory_space<hbm>>
    %dma_wait3A_68 = tpu.memref_slice %arg9[%dma_wait3A_60] : memref<3x!tpu.dma_semaphore, #tpu.memory_space<semaphore_mem>> -> memref<1x!tpu.dma_semaphore, #tpu.memory_space<semaphore_mem>>
    %dma_wait3A_69 = tpu.memref_squeeze %dma_wait3A_68 : memref<1x!tpu.dma_semaphore, #tpu.memory_space<semaphore_mem>> -> memref<!tpu.dma_semaphore, #tpu.memory_space<semaphore_mem>>
    %dma_wait3A_70 = arith.constant 0 : i32
    %dma_wait3A_71 = arith.constant 0 : i32
    %dma_wait3A_72 = tpu.memref_slice %arg4[%dma_wait3A_70, %dma_wait3A_71] : memref<3276800x32xf32, #tpu.memory_space<hbm>> -> memref<1024x32xf32, #tpu.memory_space<hbm>>
    %dma_wait3A_73 = arith.constant 0 : i32
    %dma_wait3A_74 = arith.constant 0 : i32
    %dma_wait3A_75 = tpu.memref_slice %arg6[%dma_wait3A_59, %dma_wait3A_73, %dma_wait3A_74] : memref<3x1024x32xf32, #tpu.memory_space<vmem>> -> memref<1x1024x32xf32, #tpu.memory_space<vmem>>
    %dma_wait3A_76 = tpu.memref_squeeze %dma_wait3A_75 : memref<1x1024x32xf32, #tpu.memory_space<vmem>> -> memref<1024x32xf32, #tpu.memory_space<vmem>>
    tpu.wait_dma2 semaphore(%dma_wait3A_69 : memref<!tpu.dma_semaphore, #tpu.memory_space<semaphore_mem>>) src(%dma_wait3A_76 : memref<1024x32xf32, #tpu.memory_space<vmem>>) dst(%dma_wait3A_72 : memref<1024x32xf32, #tpu.memory_space<hbm>>)
    %dma_wait3A_77 = arith.constant 1 : i32
    %dma_wait3A_78 = arith.constant 1 : i32
    %dma_wait3A_79 = arith.constant 0 : i32
    %dma_wait3A_80 = tpu.memref_slice %arg5[%dma_wait3A_77, %dma_wait3A_79] : memref<3x1024xi32, #tpu.memory_space<vmem>> -> memref<1x1024xi32, #tpu.memory_space<vmem>>
    %dma_wait3A_81 = tpu.memref_squeeze %dma_wait3A_80 : memref<1x1024xi32, #tpu.memory_space<vmem>> -> memref<1024xi32, #tpu.memory_space<vmem>>
    %dma_wait3A_82 = arith.constant 0 : i32
    %dma_wait3A_83 = tpu.memref_slice %arg2[%dma_wait3A_82] : memref<3276800xi32, #tpu.memory_space<hbm>> -> memref<1024xi32, #tpu.memory_space<hbm>>
    %dma_wait3A_84 = tpu.memref_slice %arg7[%dma_wait3A_78] : memref<3x!tpu.dma_semaphore, #tpu.memory_space<semaphore_mem>> -> memref<1x!tpu.dma_semaphore, #tpu.memory_space<semaphore_mem>>
    %dma_wait3A_85 = tpu.memref_squeeze %dma_wait3A_84 : memref<1x!tpu.dma_semaphore, #tpu.memory_space<semaphore_mem>> -> memref<!tpu.dma_semaphore, #tpu.memory_space<semaphore_mem>>
    %dma_wait3A_86 = arith.constant 0 : i32
    %dma_wait3A_87 = tpu.memref_slice %arg5[%dma_wait3A_77, %dma_wait3A_86] : memref<3x1024xi32, #tpu.memory_space<vmem>> -> memref<1x1024xi32, #tpu.memory_space<vmem>>
    %dma_wait3A_88 = tpu.memref_squeeze %dma_wait3A_87 : memref<1x1024xi32, #tpu.memory_space<vmem>> -> memref<1024xi32, #tpu.memory_space<vmem>>
    %dma_wait3A_89 = arith.constant 0 : i32
    %dma_wait3A_90 = tpu.memref_slice %arg2[%dma_wait3A_89] : memref<3276800xi32, #tpu.memory_space<hbm>> -> memref<1024xi32, #tpu.memory_space<hbm>>
    tpu.wait_dma2 semaphore(%dma_wait3A_85 : memref<!tpu.dma_semaphore, #tpu.memory_space<semaphore_mem>>) src(%dma_wait3A_90 : memref<1024xi32, #tpu.memory_space<hbm>>) dst(%dma_wait3A_88 : memref<1024xi32, #tpu.memory_space<vmem>>)
    return
  }
}

</mosaic_0001>

<sc_bundles>
// kernel: _sc_gather.3.cloned.1.call-start
scs
__scs_entry_jumppad:
0x0: {  	(pc) =	sbr.rel $0x88, $3  }
0x1: {  	(tag) =	ssettag $0x0;
	lr =	simm.s32 $0x1  }
0x2: {  	[smem:$0x3F9F] =	sst lr;
	_ =	strace $0xD0000000  }
0x3: {  	_ = 	snop  }
0x4: {  	_ = 	snop  }
0x5: {  	_ = 	snop  }
0x6: {  	_ = 	snop  }
0x7: {  	_ = 	snop  }
__scs_overlays_trampoline_lowered:
0x8: {  	[smem:$0x3FAE] =	sst s0  }
0x9: {  	[smem:$0x3FAF] =	sst s1  }
0xa: {  	[smem:$0x3FB0] =	sst s2  }
0xb: {  	[smem:$0x3FB1] =	sst s3  }
0xc: {  	[smem:$0x3FB2] =	sst s4  }
0xd: {  	[smem:$0x3FB3] =	sst s5  }
0xe: {  	[smem:$0x3FB4] =	sst s6  }
0xf: {  	[smem:$0x3FB5] =	sst s7  }
0x10: {  	[smem:$0x3FB6] =	sst s8  }
0x11: {  	[smem:$0x3FB7] =	sst s9;
	s0 =	simm.s32 @!p0 $0x0  }
0x12: {  	s1 =	sld [smem:$0x3F9D];
	s0 =	simm.s32 @p0 $0x1  }
0x13: {  	[smem:$0x3FB8] =	sst s0;
	s0 =	simm.s32 @!p1 $0x0  }
0x14: {  	s2 =	sld [smem:$0x3F9C];
	s0 =	simm.s32 @p1 $0x1  }
0x15: {  	[smem:$0x3FB9] =	sst s0;
	s0 =	simm.s32 @!p2 $0x0  }
0x16: {  	s3 =	sld [smem:$0x3FDB];
	s0 =	simm.s32 @p2 $0x1  }
0x17: {  	s4 =	simm.s32 $0x1BF5;
	[smem:$0x3FBB] =	sst s0  }
0x18: {  	s0 =	sld [smem:$0x3F9E];
	_ =	swait.ge [sflag:s4], $0x0  }
0x19: {  	s7 =	sld [smem:$0x3F9F]  }
0x1a: {  	s8 =	sadd.s32 $0xFFFFE003, lr  }
0x1b: {  	s9 =	sadd.s32 $0xFFFFFEF7, lr;
	s5 =	simm.s32 $0xFFFFFFFF;
	p2 =	slt.u32 s8, $0xFFFFF086  }
0x1c: {  	p1 =	slt.u32 s9, $0xF7A;
	s5 =	simm.s32 @!p2 $0x0  }
0x1d: {  	s5 =	simm.s32 @p1 $0x1;
	p0 =	seq.s32 s7, s2  }
0x1e: {  	s7 =	smul.u32 @!p0 $0xF7A, s2;
	p2 =	seq.s32 @!p0 s5, $0x0  }
0x1f: {  	s9 =	smul.u32 $0xF7A, s1;
	s8 =	simm.s32 @!p0 $0x1BF5;
	p2 =	por !p2, p0  }
0x20: {  	[sflag:s8] =	ssyncset.s32 @!p0 $0xFFFFF086;
	s6 =	sadd.s32 @!p0 s3, s7;
	s7 =	simm.s32 @!p0 $0x108  }
0x21: {  	s3 =	sadd.s32 s3, s9;
	s6 =	sadd.s32 @!p0 $0x88, s6;
	s7 =	simm.s32 @p2 $0x1082  }
0x22: {  	[simem:s7], [sflag:s8] =	dma.local @!p0 [hbm:s6], $0xF7A  }
0x23: {  	s9 =	sor.u32 $0xD0000000, s2;
	s6 =	simm.s32 $0x108;
	_ =	swait.ge @!p0 [sflag:s8], $0x0  }
0x24: {  	s3 =	sadd.s32 $0x88, s3;
	s6 =	simm.s32 @!p1 $0x1082;
	[sflag:s4] =	ssyncset.s32 $0xFFFFF086  }
0x25: {  	[simem:s6], [sflag:s4] =	dma.local [hbm:s3], $0xF7A  }
0x26: {  	[smem:$0x3F9F] =	sst s1;
	(tag) =	ssettag s2;
	_ =	strace s9  }
0x27: {  	s1 =	sld [smem:$0x3FAF]  }
0x28: {  	s2 =	sld [smem:$0x3FB0]  }
0x29: {  	s4 =	sld [smem:$0x3FB2]  }
0x2a: {  	p0 =	seq.s32 s5, $0x0;
	s5 =	sld [smem:$0x3FB3]  }
0x2b: {  	s6 =	sld [smem:$0x3FB4]  }
0x2c: {  	s7 =	sld [smem:$0x3FB5]  }
0x2d: {  	s3 =	simm.s32 $0x108;
	s8 =	sld [smem:$0x3FB6]  }
0x2e: {  	s3 =	simm.s32 @!p0 $0x1082;
	s9 =	sld [smem:$0x3FB7]  }
0x2f: {  	lr =	sadd.s32 s0, s3;
	s0 =	sld [smem:$0x3FAE]  }
0x30: {  	s3 =	sld [smem:$0x3FB1]  }
0x31: {  	[smem:$0x3FBA] =	sst s10  }
0x32: {  	s10 =	sld [smem:$0x3FB8];
	_ =	sdelay $0x3  }
0x33: {  	p0 =	seq.s32 s10, $0x1;
	s10 =	sld [smem:$0x3FBA];
	_ =	sdelay $0x3  }
0x34: {  	[smem:$0x3FBA] =	sst s10  }
0x35: {  	s10 =	sld [smem:$0x3FB9];
	_ =	sdelay $0x3  }
0x36: {  	p1 =	seq.s32 s10, $0x1;
	s10 =	sld [smem:$0x3FBA];
	_ =	sdelay $0x3  }
0x37: {  	[smem:$0x3FBA] =	sst s10  }
0x38: {  	s10 =	sld [smem:$0x3FBB]  }
0x39: {  	_ = 	snop;
	(pc) =	sbr.ind lr, $3  }
0x3a: {  	_ = 	snop  }
0x3b: {  	_ = 	snop  }
0x3c: {  	p2 =	seq.s32 s10, $0x1;
	s10 =	sld [smem:$0x3FBA]  }
0x3d: {  	_ =	shalt  }
0x3e: {  	_ =	shalt  }
0x3f: {  	_ =	shalt  }
0x40: {  	_ =	shalt  }
0x41: {  	_ =	shalt  }
0x42: {  	_ =	shalt  }
0x43: {  	_ =	shalt  }
0x44: {  	_ =	shalt  }
0x45: {  	_ =	shalt  }
0x46: {  	_ =	shalt  }
0x47: {  	_ =	shalt  }
0x48: {  	_ =	shalt  }
0x49: {  	_ =	shalt  }
0x4a: {  	_ =	shalt  }
0x4b: {  	_ =	shalt  }
0x4c: {  	_ =	shalt  }
0x4d: {  	_ =	shalt  }
0x4e: {  	_ =	shalt  }
0x4f: {  	_ =	shalt  }
0x50: {  	_ =	shalt  }
0x51: {  	_ =	shalt  }
0x52: {  	_ =	shalt  }
0x53: {  	_ =	shalt  }
0x54: {  	_ =	shalt  }
0x55: {  	_ =	shalt  }
0x56: {  	_ =	shalt  }
0x57: {  	_ =	shalt  }
0x58: {  	_ =	shalt  }
0x59: {  	_ =	shalt  }
0x5a: {  	_ =	shalt  }
0x5b: {  	_ =	shalt  }
0x5c: {  	_ =	shalt  }
0x5d: {  	_ =	shalt  }
0x5e: {  	_ =	shalt  }
0x5f: {  	_ =	shalt  }
0x60: {  	_ =	shalt  }
0x61: {  	_ =	shalt  }
0x62: {  	_ =	shalt  }
0x63: {  	_ =	shalt  }
0x64: {  	_ =	shalt  }
0x65: {  	_ =	shalt  }
0x66: {  	_ =	shalt  }
0x67: {  	_ =	shalt  }
0x68: {  	_ =	shalt  }
0x69: {  	_ =	shalt  }
0x6a: {  	_ =	shalt  }
0x6b: {  	_ =	shalt  }
0x6c: {  	_ =	shalt  }
0x6d: {  	_ =	shalt  }
0x6e: {  	_ =	shalt  }
0x6f: {  	_ =	shalt  }
0x70: {  	_ =	shalt  }
0x71: {  	_ =	shalt  }
0x72: {  	_ =	shalt  }
0x73: {  	_ =	shalt  }
0x74: {  	_ =	shalt  }
0x75: {  	_ =	shalt  }
0x76: {  	_ =	shalt  }
0x77: {  	_ =	shalt  }
0x78: {  	_ =	shalt  }
0x79: {  	_ =	shalt  }
0x7a: {  	_ =	shalt  }
0x7b: {  	_ =	shalt  }
0x7c: {  	_ =	shalt  }
0x7d: {  	_ =	shalt  }
0x7e: {  	_ =	shalt  }
0x7f: {  	_ =	shalt  }
0x80: {  	_ =	shalt  }
0x81: {  	_ =	shalt  }
0x82: {  	_ =	shalt  }
0x83: {  	_ =	shalt  }
0x84: {  	_ =	shalt  }
0x85: {  	_ =	shalt  }
0x86: {  	_ =	shalt  }
0x87: {  	_ =	shalt  }
.Lfunc_end0:
.L_simem_size_0:
called_computation.1_lowered:
.L_overlay_start_0:
0x88: {  	s2 =	sld [smem:$0x3FD9]  }
0x89: {  	s3 =	sld [smem:$0x3FFE];
	_ =	sdelay $0x1  }
0x8a: {  	s1 =	srdreg.scid  }
0x8b: {  	s0 =	sand.u32 $0x1, s1  }
0x8c: {  	s17 =	sshll.u32 s0, $0xA;
	s2 =	sadd.s32 s3, s2  }
0x8d: {  	s2 =	sadd.s32 s2, s17  }
0x8e: {  	[smem:$0x3FC6] =	sst s2  }
0x8f: {  	_ = 	snop  }
0x90: {  	s2 =	sld [smem:$0x3FC9]  }
0x91: {  	s18 =	sld [smem:$0x3FD0];
	(tm) =	ssettm $0x1  }
0x92: {  	s4 =	sld [smem:$0x3FFB];
	_ =	sdelay $0x3  }
0x93: {  	_ =	strace s4  }
0x94: {  	s4 =	sld [smem:$0x3FFC];
	_ =	sdelay $0x3  }
0x95: {  	_ =	strace s4  }
0x96: {  	s4 =	sld [smem:$0x3FFD];
	_ =	sdelay $0x3  }
0x97: {  	_ =	strace s4  }
0x98: {  	_ =	strace $0x8FFFFFFF  }
0x99: {  	s19 =	sld [smem:$0x3FDB];
	_ =	sdelay $0x1  }
0x9a: {  	s5 =	simm.s32 $_scs_section_size  }
0x9b: {  	s6 =	simm.s32 $_size__tile_overlayer_lowered;
	s7 =	simm.s32 $_tile_overlayer_lowered  }
0x9c: {  	s22 =	simm.s32 $0x1BFF;
	s21 =	sshll.u32 s7, $0x1;
	s4 =	sadd.s32 s5, s19  }
0x9d: {  	s8 =	simm.s32 $0x0;
	s20 =	sshll.u32 s6, $0x1;
	s6 =	sadd.s32 s21, s4  }
0x9e: {  	[timem:s8], [sflag:s22] =	dma.local [hbm:s6], s20  }
0x9f: {  	_ =	swait.ge [sflag:s22], s20  }
0xa0: {  	s5 =	ssub.s32 $0x0, s20;
	[sflag:s22] =	ssyncset.done $0x0  }
0xa1: {  	[sflag:s22] =	ssyncadd.s32 s5;
	_ =	sdelay $0x1  }
0xa2: {  	s23 =	simm.s32 $0x1B8B  }
0xa3: {  	_ =	swait.ge [sflag:s23], $0x1  }
0xa4: {  	[sflag:s23] =	ssyncset.done $0x0  }
0xa5: {  	s25 =	simm.s32 $0x1B8E;
	s24 =	sld [smem:$0x3FFE];
	[sflag:s23] =	ssyncadd.s32 $0xFFFFFFFF  }
0xa6: {  	s26 =	simm.s32 $execute0_lowered;
	[smem:$0x3FD2] =	sst s25  }
0xa7: {  	s6 =	sshll.u32 s26, $0x1;
	_ =	strace $0x80000046;
	[dreg:$0x1] =	wrdreg $0xFFFFFFFF  }
0xa8: {  	s28 =	simm.s32 $_size_execute0_lowered;
	s4 =	sadd.s32 s4, s6;
	[dreg:$0x0] =	wrdreg $0x0  }
0xa9: {  	s6 =	sshll.u32 s28, $0x1;
	[dreg:$0x2] =	wrdreg s4  }
0xaa: {  	[dreg:$0x3] =	wrdreg s6  }
0xab: {  	[dreg:$0x4] =	wrdreg $0xC0  }
0xac: {  	_ =	task [dreg:s8], $0x5FFFF  }
0xad: {  	[dreg:$0x1] =	wrdreg $0xFFFFFFFF  }
0xae: {  	[dreg:$0x0] =	wrdreg $0x60  }
0xaf: {  	[dreg:$0x2] =	wrdreg s2  }
0xb0: {  	[dreg:$0x3] =	wrdreg s24  }
0xb1: {  	[dreg:$0x4] =	wrdreg s18  }
0xb2: {  	[dreg:$0x5] =	wrdreg $0x9  }
0xb3: {  	_ =	task.clear_ibuf [dreg:s8], $0x6FFFF;
	_ =	strace $0x90000046  }
0xb4: {  	s29 =	simm.s32 $0x9;
	_ =	strace $0x80000048  }
0xb5: {  	_ =	swait.ge [sflag:s29], $0x1  }
0xb6: {  	[sflag:s29] =	ssyncadd.s32 $0xFFFFFFFF  }
0xb7: {  	_ =	strace $0x90000048  }
0xb8: {  	_ =	sfence  }
0xb9: {  	s30 =	sld [smem:$0x0];
	_ =	sdelay $0x2  }
0xba: {  	s31 =	sshll.u32 s1, $0xD;
	s1 =	sshrl.u32 s1, $0x2  }
0xbb: {  	s3 =	sand.u32 $0x4000, s31;
	s1 =	sadd.s32 s1, s30  }
0xbc: {  	s0 =	sor.u32 s3, s0;
	s1 =	sshll.u32 s1, $0x11  }
0xbd: {  	s0 =	sor.u32 s1, s0  }
0xbe: {  	s0 =	sadd.s32 $0x8F2B, s0  }
0xbf: {  	[sflag:s0] =	ssyncadd.remote.s32 $0x1  }
0xc0: {  	_ =	sfence.sel $0xFFFF  }
0xc1: {  	[dreg:$0x0] =	wrdreg $0xFFFFFFFF;
	(pc) =	sbr.abs _section_cstart, $3  }
0xc2: {  	[dreg:$0x1] =	wrdreg $0xFFFFFFFF  }
0xc3: {  	_ =	task.clear_ibuf [dreg:s8], $0x2FFFF;
	_ =	strace $0x9FFFFFFF  }
0xc4: {  	(tm) =	ssettm $0x7FFFFFFF  }
0xc5: {  	_ =	shalt  }
tec
execute0_lowered:
.L_overlay_start_1:
0x0: {  	(tag) =	ssettag $0x1  }
0x1: {  	s1 =	rddreg [dreg:$0x0]  }
0x2: {  	s5 =	rddreg [dreg:$0x1]  }
0x3: {  	s8 =	rddreg [dreg:$0x2]  }
0x4: {  	s0 =	rddreg [dreg:$0x3]  }
0x5: {  	s3 =	simm.s32 $0x0;
	s4 =	srdreg.scid;
	s2 =	stileid.u32  }
0x6: {  	s11 =	simm.s32 $0x8;
	s12 =	simm.s32 $0x9;
	s13 =	simm.s32 $0x2  }
0x7: {  	s14 =	simm.s32 $0x0;
	s4 =	sand.u32 $0x1, s4;
	s6 =	sshll.u32 s2, $0x1  }
0x8: {  	s7 =	smul.u32 $0x640000, s2;
	[smem:$0x7FF] =	sst s3;
	s5 =	sadd.s32 $0xF42C00, s5  }
0x9: {  	s6 =	sor.u32 s4, s6;
	s9 =	smul.u32 $0x320000, s4;
	s10 =	ssub.s32 $0x2, s4  }
0xa: {  	_ =	strace $0x80000047;
	s4 =	smul.u32 $0x19000, s6;
	s28 =	sshrl.u32 s10, $0x1  }
0xb: {  	s7 =	sadd.s32 s9, s7;
	s29 =	ssub.s32 s10, s28;
	s9 =	simm.s32 $0x400  }
0xc: {  	s10 =	simm.s32 $0x7;
	s30 =	sshrl.u32 s4, $0x3;
	s31 =	sshrl.u32 s7, $0x3  }
0xd: {  	s7 =	smax.u32 s29, $0x1;
	s6 =	sadd.s32 s1, s30;
	s8 =	sadd.s32 s31, s8  }
.LBB2_1:
0xe: {  	s16 =	smul.u32 $0xAB, s3  }
0xf: {  	[tilespmem:s3], [sflag:$0x1] =	stream.linear.gather [hbm4b:s6+s3], $0x400, $0x38;
	[tilespmem:$0x18C00] =	vst v63  }
0x10: {  	s15 =	sshrl.u32 s16, $0x9;
	s16 =	sadd.s32 $0xAB, s16  }
0x11: {  	s15 =	sand.u32 $0x7F, s15;
	s16 =	sshrl.u32 s16, $0x9  }
0x12: {  	s17 =	smul.u32 $0x3, s15;
	s16 =	sand.u32 $0x7F, s16  }
0x13: {  	s15 =	simm.s32 $0x1;
	s16 =	smul.u32 $0x3, s16  }
0x14: {  	p0 =	por $0x1, $0x1;
	s18 =	smin.u32 s15, $0x63;
	s31 =	smul.u32 $0xAB, s15  }
0x15: {  	s17 =	ssub.s32 $0x0, s17;
	s19 =	sshll.u32 s18, $0xA;
	s18 =	simm.s32 $0x2  }
0x16: {  	s17 =	sand.u32 $0xFF, s17;
	s23 =	smin.u32 s18, $0x63;
	s16 =	ssub.s32 $0x1, s16  }
0x17: {  	s19 =	sadd.s32 s4, s19;
	s25 =	sshrl.u32 s31, $0x9;
	s20 =	sadd.s32 @!p0 $0x7, s17  }
0x18: {  	s28 =	sadd.s32 $0x1, s17;
	s22 =	sshll.u32 s17, $0xF;
	_ =	swait.ge @!p0 [sflag:s20], $0x8000  }
0x19: {  	s24 =	sshll.u32 s17, $0xA;
	s21 =	sadd.s32 $0x4, s17;
	[sflag:s20] =	ssyncset.done @!p0 $0x0  }
0x1a: {  	s29 =	sshll.u32 s23, $0xA;
	s16 =	sand.u32 $0xFF, s16;
	[sflag:s20] =	ssyncadd.s32 @!p0 $0xFFFF8000  }
0x1b: {  	s19 =	sshrl.u32 s19, $0x3;
	s23 =	smov.u32 s8;
	_ =	swait.ge [sflag:s28], $0x400  }
0x1c: {  	s22 =	sor.u32 $0xC00, s22;
	s30 =	sshll.u32 s16, $0xA;
	[sflag:s28] =	ssyncset.done $0x0  }
0x1d: {  	s16 =	sadd.s32 $0x1, s16;
	s20 =	sadd.s32 s4, s29;
	[sflag:s28] =	ssyncadd.s32 $0xFFFFFC00  }
0x1e: {  	[tilespmem:s22], [sflag:s21] =	stream.indirect.gather [hbm4b:s5+s9], $0x20, s24, s9, $0xb8;
	[tilespmem:$0x18C00] =	vst v63  }
0x1f: {  	s19 =	sadd.s32 s1, s19;
	s20 =	sshrl.u32 s20, $0x3;
	s24 =	sadd.s32 $0xAB, s31  }
0x20: {  	[tilespmem:s30], [sflag:s16] =	stream.linear.gather [hbm4b:s19+s3], $0x400, $0x38;
	[tilespmem:$0x18C00] =	vst v63  }
0x21: {  	s16 =	sadd.s32 $0x1000, s8;
	s19 =	simm.s32 $0x2;
	_ =	swait.ge [sflag:s21], $0x8000  }
.LBB2_2:
0x22: {  	s25 =	sand.u32 $0x7F, s25;
	[sflag:s21] =	ssyncset.done $0x0  }
0x23: {  	s26 =	smov.u32 s18;
	s18 =	sadd.s32 $0x1, s18;
	s28 =	smov.u32 s20  }
0x24: {  	s17 =	sadd.s32 $0x7, s17;
	s20 =	smul.u32 $0x3, s25;
	[sflag:s21] =	ssyncadd.s32 $0xFFFF8000  }
0x25: {  	[hbm4b:s23+s3] =	stream.linear.scatter [tilespmem:s22], [sflag:s17], $0x8000, $0x38;
	[tilespmem:$0x18C00] =	vst v63  }
0x26: {  	p0 =	sne.s32 s18, $0x64;
	s17 =	smin.u32 s18, $0x63;
	s20 =	ssub.s32 s15, s20  }
0x27: {  	p1 =	slt.u32 s15, $0x3;
	s21 =	sshll.u32 s17, $0xA;
	s17 =	sand.u32 $0xFF, s20  }
0x28: {  	s15 =	sadd.s32 s4, s21;
	s21 =	sadd.s32 @!p1 $0x7, s17;
	s22 =	sshll.u32 s17, $0xF  }
0x29: {  	s20 =	sshrl.u32 s15, $0x3;
	s15 =	smov.u32 s26;
	_ =	swait.ge @!p1 [sflag:s21], $0x8000  }
0x2a: {  	s24 =	sshrl.u32 s24, $0x9;
	s23 =	smov.u32 s16;
	[sflag:s21] =	ssyncset.done @!p1 $0x0  }
0x2b: {  	s24 =	sand.u32 $0x7F, s24;
	s25 =	sadd.s32 $0x1, s17;
	[sflag:s21] =	ssyncadd.s32 @!p1 $0xFFFF8000  }
0x2c: {  	s24 =	smul.u32 $0x3, s24;
	_ =	swait.ge [sflag:s25], $0x400  }
0x2d: {  	s26 =	sshll.u32 s17, $0xA;
	s21 =	sadd.s32 $0x4, s17;
	[sflag:s25] =	ssyncset.done $0x0  }
0x2e: {  	s19 =	ssub.s32 s19, s24;
	s22 =	sor.u32 $0xC00, s22;
	[sflag:s25] =	ssyncadd.s32 $0xFFFFFC00  }
0x2f: {  	[tilespmem:s22], [sflag:s21] =	stream.indirect.gather [hbm4b:s5+s9], $0x20, s26, s9, $0xb8;
	[tilespmem:$0x18C00] =	vst v63  }
.Ltmp0:
0x30: {  	s24 =	sand.u32 $0xFF, s19;
	s19 =	smov.u32 s18;
	(pc) =	sbr.rel @p0 .LBB2_2-.Ltmp0, $4  }
0x31: {  	s25 =	sshll.u32 s24, $0xA;
	s24 =	sadd.s32 $0x1, s24  }
0x32: {  	s28 =	sadd.s32 s1, s28;
	s16 =	sadd.s32 $0x1000, s16;
	s26 =	smul.u32 $0xAB, s15  }
0x33: {  	[tilespmem:s25], [sflag:s24] =	stream.linear.gather [hbm4b:s28+s3], $0x400, $0x38;
	[tilespmem:$0x18C00] =	vst v63  }
0x34: {  	s25 =	sshrl.u32 s26, $0x9;
	s24 =	sadd.s32 $0xAB, s26;
	_ =	swait.ge [sflag:s21], $0x8000  }
0x35: {  	s18 =	sand.u32 $0x7F, s25;
	[sflag:s21] =	ssyncset.done $0x0  }
0x36: {  	s17 =	sadd.s32 $0x7, s17;
	s18 =	smul.u32 $0x3, s18;
	[sflag:s21] =	ssyncadd.s32 $0xFFFF8000  }
0x37: {  	[hbm4b:s23+s3] =	stream.linear.scatter [tilespmem:s22], [sflag:s17], $0x8000, $0x38;
	[tilespmem:$0x18C00] =	vst v63  }
0x38: {  	s23 =	ssub.s32 s15, s18  }
0x39: {  	p0 =	slt.u32 s15, $0x3;
	s17 =	sand.u32 $0xFF, s23  }
0x3a: {  	s15 =	sadd.s32 @!p0 $0x7, s17  }
0x3b: {  	s24 =	sshrl.u32 s24, $0x9;
	_ =	swait.ge @!p0 [sflag:s15], $0x8000  }
0x3c: {  	s18 =	sand.u32 $0x7F, s24;
	[sflag:s15] =	ssyncset.done @!p0 $0x0  }
0x3d: {  	s18 =	smul.u32 $0x3, s18;
	s25 =	sadd.s32 $0x1, s17;
	[sflag:s15] =	ssyncadd.s32 @!p0 $0xFFFF8000  }
0x3e: {  	s26 =	sshll.u32 s17, $0xF;
	s28 =	sshll.u32 s17, $0xA;
	_ =	swait.ge [sflag:s25], $0x400  }
0x3f: {  	s29 =	sadd.s32 $0x4, s17;
	s18 =	ssub.s32 s19, s18;
	[sflag:s25] =	ssyncset.done $0x0  }
0x40: {  	s30 =	sor.u32 $0xC00, s26;
	s18 =	sand.u32 $0xFF, s18;
	[sflag:s25] =	ssyncadd.s32 $0xFFFFFC00  }
0x41: {  	[tilespmem:s30], [sflag:s29] =	stream.indirect.gather [hbm4b:s5+s9], $0x20, s28, s9, $0xb8;
	[tilespmem:$0x18C00] =	vst v63  }
0x42: {  	s20 =	sadd.s32 s1, s20;
	s31 =	sshll.u32 s18, $0xA;
	s18 =	sadd.s32 $0x1, s18  }
0x43: {  	[tilespmem:s31], [sflag:s18] =	stream.linear.gather [hbm4b:s20+s3], $0x400, $0x38;
	[tilespmem:$0x18C00] =	vst v63  }
0x44: {  	_ =	swait.ge [sflag:s29], $0x8000  }
0x45: {  	[sflag:s29] =	ssyncset.done $0x0  }
0x46: {  	s17 =	sadd.s32 $0x7, s17;
	[sflag:s29] =	ssyncadd.s32 $0xFFFF8000  }
0x47: {  	[hbm4b:s16+s3] =	stream.linear.scatter [tilespmem:s30], [sflag:s17], $0x8000, $0x38;
	[tilespmem:$0x18C00] =	vst v63  }
0x48: {  	_ =	swait.ge [sflag:s10], $0x8000  }
0x49: {  	[sflag:s10] =	ssyncset.done $0x0  }
0x4a: {  	[sflag:s10] =	ssyncadd.s32 $0xFFFF8000  }
0x4b: {  	_ =	swait.ge [sflag:s11], $0x8000  }
0x4c: {  	[sflag:s11] =	ssyncset.done $0x0  }
0x4d: {  	s14 =	sadd.s32 $0x1, s14;
	[sflag:s11] =	ssyncadd.s32 $0xFFFF8000  }
0x4e: {  	p0 =	sne.s32 s14, s7;
	_ =	swait.ge [sflag:s12], $0x8000  }
.Ltmp1:
0x4f: {  	[sflag:s12] =	ssyncset.done $0x0;
	(pc) =	sbr.rel @p0 .LBB2_1-.Ltmp1, $4  }
0x50: {  	[sflag:s12] =	ssyncadd.s32 $0xFFFF8000  }
0x51: {  	_ =	swait.ge [sflag:s13], $0x400  }
0x52: {  	[sflag:s13] =	ssyncset.done $0x0  }
0x53: {  	[sflag:s13] =	ssyncadd.s32 $0xFFFFFC00  }
0x54: {  	_ =	sfence.sel $0x180000  }
0x55: {  	[bflag:$0x0] =	sbarrier.arrive $0xFFFF  }
0x56: {  	p0 =	sne.s32 s2, $0x0;
	_ =	strace $0x90000047  }
0x57: {  	s0 =	sadd.s32 @!p0 $0x100000, s0;
	[bflag:$0x2] =	sbarrier.arrive $0xFFFF  }
0x58: {  	[sflag:s0] =	ssyncadd.tile.s32 @!p0 $0x1;
	_ =	shalt  }
.Lfunc_end2:
_tile_overlayer_lowered:
.L_overlay_start_2:
0x59: {  	(tag) =	ssettag $0x2  }
0x5a: {  	s0 =	rddreg [dreg:$0x0];
	s2 =	stileid.u32  }
0x5b: {  	s1 =	rddreg [dreg:$0x1];
	p0 =	sne.s32 s2, $0x0  }
0x5c: {  	s3 =	rddreg [dreg:$0x2];
	[bflag:$0x3] =	sbarrier.arrive $0xFFFF;
	s2 =	simm.s32 @!p0 $0x1C0A  }
0x5d: {  	[timem:s3], [sflag:s2] =	dma.local @!p0 [hbm:s0], s1  }
0x5e: {  	s0 =	simm.s32 @!p0 $0xA  }
0x5f: {  	_ =	swait.ge @!p0 [sflag:s0], s1  }
0x60: {  	s1 =	ssub.s32 @!p0 $0x0, s1;
	[sflag:s0] =	ssyncset.done @!p0 $0x0  }
0x61: {  	[sflag:s0] =	ssyncadd.s32 @!p0 s1  }
0x62: {  	[bflag:$0x3] =	sbarrier.arrive $0xFFFF  }
0x63: {  	_ =	shalt  }

// kernel: sparse-core-data-format-call.cloned.1.call-start
scs
called_computation_lowered:
.L_overlay_start_0:
0x0: {  	s2 =	sld [smem:$0x3FD9]  }
0x1: {  	s3 =	sld [smem:$0x3FFE];
	_ =	sdelay $0x1  }
0x2: {  	s1 =	srdreg.scid  }
0x3: {  	s0 =	sand.u32 $0x1, s1  }
0x4: {  	s18 =	sshll.u32 s0, $0xA;
	s2 =	sadd.s32 s3, s2  }
0x5: {  	s2 =	sadd.s32 s2, s18  }
0x6: {  	[smem:$0x3FC6] =	sst s2  }
0x7: {  	_ = 	snop  }
0x8: {  	s2 =	sld [smem:$0x3FD0];
	(tm) =	ssettm $0x1  }
0x9: {  	s19 =	sld [smem:$0x3FFB];
	_ =	sdelay $0x3  }
0xa: {  	_ =	strace s19  }
0xb: {  	s3 =	sld [smem:$0x3FFC];
	_ =	sdelay $0x3  }
0xc: {  	_ =	strace s3  }
0xd: {  	s3 =	sld [smem:$0x3FFD];
	_ =	sdelay $0x3  }
0xe: {  	_ =	strace s3  }
0xf: {  	_ =	strace $0x8FFFFFFF  }
0x10: {  	s20 =	sld [smem:$0x3FDB];
	_ =	sdelay $0x1  }
0x11: {  	s4 =	simm.s32 $_scs_section_size  }
0x12: {  	s5 =	simm.s32 $_size__tile_overlayer_lowered;
	s6 =	simm.s32 $_tile_overlayer_lowered  }
0x13: {  	s23 =	simm.s32 $0x1BFF;
	s22 =	sshll.u32 s6, $0x1;
	s3 =	sadd.s32 s4, s20  }
0x14: {  	s7 =	simm.s32 $0x0;
	s21 =	sshll.u32 s5, $0x1;
	s5 =	sadd.s32 s22, s3  }
0x15: {  	[timem:s7], [sflag:s23] =	dma.local [hbm:s5], s21  }
0x16: {  	_ =	swait.ge [sflag:s23], s21  }
0x17: {  	s4 =	ssub.s32 $0x0, s21;
	[sflag:s23] =	ssyncset.done $0x0  }
0x18: {  	[sflag:s23] =	ssyncadd.s32 s4;
	_ =	sdelay $0x1  }
0x19: {  	s24 =	simm.s32 $0x1B8B  }
0x1a: {  	_ =	swait.ge [sflag:s24], $0x1  }
0x1b: {  	[sflag:s24] =	ssyncset.done $0x0  }
0x1c: {  	s26 =	simm.s32 $0x1B8E;
	s25 =	sld [smem:$0x3FFE];
	[sflag:s24] =	ssyncadd.s32 $0xFFFFFFFF  }
0x1d: {  	s27 =	simm.s32 $execute0_lowered;
	[smem:$0x3FD2] =	sst s26  }
0x1e: {  	s5 =	sshll.u32 s27, $0x1;
	_ =	strace $0x80000049;
	[dreg:$0x1] =	wrdreg $0xFFFFFFFF  }
0x1f: {  	s28 =	simm.s32 $_size_execute0_lowered;
	s3 =	sadd.s32 s3, s5;
	[dreg:$0x0] =	wrdreg $0x0  }
0x20: {  	s5 =	sshll.u32 s28, $0x1;
	[dreg:$0x2] =	wrdreg s3  }
0x21: {  	[dreg:$0x3] =	wrdreg s5  }
0x22: {  	[dreg:$0x4] =	wrdreg $0xC0  }
0x23: {  	_ =	task [dreg:s7], $0x5FFFF  }
0x24: {  	[dreg:$0x1] =	wrdreg $0xFFFFFFFF  }
0x25: {  	[dreg:$0x0] =	wrdreg $0x60  }
0x26: {  	[dreg:$0x2] =	wrdreg s25  }
0x27: {  	[dreg:$0x3] =	wrdreg s2  }
0x28: {  	[dreg:$0x4] =	wrdreg $0x9  }
0x29: {  	_ =	task.clear_ibuf [dreg:s7], $0x5FFFF;
	_ =	strace $0x90000049  }
0x2a: {  	s29 =	simm.s32 $0x9;
	_ =	strace $0x8000004B  }
0x2b: {  	_ =	swait.ge [sflag:s29], $0x1  }
0x2c: {  	[sflag:s29] =	ssyncadd.s32 $0xFFFFFFFF  }
0x2d: {  	_ =	strace $0x9000004B  }
0x2e: {  	_ =	sfence  }
0x2f: {  	s30 =	sld [smem:$0x0];
	_ =	sdelay $0x2  }
0x30: {  	s31 =	sshll.u32 s1, $0xD;
	s1 =	sshrl.u32 s1, $0x2  }
0x31: {  	s3 =	sand.u32 $0x4000, s31;
	s1 =	sadd.s32 s1, s30  }
0x32: {  	s0 =	sor.u32 s3, s0;
	s1 =	sshll.u32 s1, $0x11  }
0x33: {  	s0 =	sor.u32 s1, s0  }
0x34: {  	s0 =	sadd.s32 $0x8F2B, s0  }
0x35: {  	[sflag:s0] =	ssyncadd.remote.s32 $0x1  }
0x36: {  	_ =	sfence.sel $0xFFFF  }
0x37: {  	[dreg:$0x0] =	wrdreg $0xFFFFFFFF;
	(pc) =	sbr.abs _section_cstart, $3  }
0x38: {  	[dreg:$0x1] =	wrdreg $0xFFFFFFFF  }
0x39: {  	_ =	task.clear_ibuf [dreg:s7], $0x2FFFF;
	_ =	strace $0x9FFFFFFF  }
0x3a: {  	(tm) =	ssettm $0x7FFFFFFF  }
0x3b: {  	_ =	shalt  }
tec
execute0_lowered:
.L_overlay_start_1:
0x0: {  	(tag) =	ssettag $0x1  }
0x1: {  	s0 =	srdreg.scid  }
0x2: {  	s1 =	sshll.u32 s0, $0x4  }
0x3: {  	s4 =	rddreg [dreg:$0x0];
	s0 =	stileid.u32;
	s1 =	sand.u32 $0x10, s1  }
0x4: {  	s2 =	rddreg [dreg:$0x1];
	s7 =	simm.s32 $0x1;
	s1 =	sor.u32 s0, s1  }
0x5: {  	s8 =	simm.s32 $0x2;
	s11 =	simm.s32 $0x0;
	s3 =	sshll.u32 s1, $0x7  }
0x6: {  	s10 =	simm.s32 $0x0;
	s4 =	sadd.s32 $0x800, s4;
	s6 =	ssub.s32 $0x320000, s3  }
.Ltmp0:
0x7: {  	s1 =	rddreg [dreg:$0x2];
	s5 =	sand.u32 $0xF80, s6;
	(pc) =	sbr.rel .LBB1_1-.Ltmp0, $4  }
0x8: {  	_ =	strace $0x8000004A;
	s9 =	smov.u32 s3;
	p0 =	sne.s32 s5, $0x0  }
0x9: {  	s6 =	sshrl.u32 s6, $0xC;
	s5 =	simm.s32 $0x1;
	s7 =	simm.s32 @!p0 $0x0  }
0xa: {  	[sflag:s5] =	ssyncpa.u1 $0x0;
	p0 =	por $0x0, $0x0;
	s6 =	sadd.s32 s7, s6  }
0xb: {  	[sflag:s8] =	ssyncpa.u1 $0x0;
	s8 =	simm.s32 $0x1900000;
	s7 =	sadd.s32 $0x1, s6  }
.LBB1_4:
0xc: {  	s14 =	sshll.u32 s11, $0x3  }
0xd: {  	s30 =	sand.u32 $0x7F, s11;
	s15 =	sand.u32 $0xFFFFFC00, s14  }
0xe: {  	s11 =	sor.u32 s30, s15  }
0xf: {  	s15 =	smulhi.u32 $0x51EB851F, s11  }
0x10: {  	s14 =	smulhi.u32 $0x51EB851F, s14  }
0x11: {  	s15 =	sshrl.u32 s15, $0x14  }
0x12: {  	s14 =	sshrl.u32 s14, $0x14;
	s15 =	smul.u32 $0x320000, s15  }
0x13: {  	s14 =	sand.u32 $0x1F, s14  }
0x14: {  	s14 =	smul.u32 $0x64000, s14;
	s11 =	ssub.s32 s11, s15  }
0x15: {  	s15 =	sand.u32 $0x7, s11  }
0x16: {  	s14 =	sadd.s32 s2, s14;
	s11 =	sshrl.u32 s11, $0x3;
	s15 =	sshll.u32 s15, $0x12  }
0x17: {  	[tilespmem:s13+$0x0 ss:$0x81] =	vst.msk $0xffff, v0;
	s11 =	sadd.s32 s11, s14;
	s31 =	sor.u32 $0x400, s15  }
0x18: {  	[hbm4b:s11+s31] =	stream.strided.scatter [tilespmem:s12], [sflag:$0x2], $0x1000, s8, s31, $0x20;
	[tilespmem:$0x4040] =	vst v63  }
.LBB1_5:
0x19: {  	s13 =	sadd.s32 $0x1000, s9  }
0x1a: {  	p2 =	sgt.s32 s13, $0x31FFFF  }
0x1b: {  	s13 =	smov.u32 @p2 s3;
	p2 =	sne.s32 s10, s7  }
.Ltmp1:
0x1c: {  	p1 =	slt.u32 s10, $0x2;
	(pc) =	sbr.rel @!p2 .LBB1_6-.Ltmp1, $4  }
0x1d: {  	s12 =	simm.s32 @!p1 $0x2  }
0x1e: {  	s14 =	sadd.s32 $0x1, s10;
	_ =	swait.ge @!p1 [sflag:s12], $0x1000  }
0x1f: {  	s11 =	smov.u32 s9;
	p0 =	por !p0, !p0;
	[sflag:s12] =	ssyncset.done @!p1 $0x0  }
0x20: {  	s10 =	smov.u32 s14;
	s9 =	smov.u32 s13;
	[sflag:s12] =	ssyncadd.s32 @!p1 $0xFFFFF000  }
.LBB1_1:
0x21: {  	p1 =	sge.u32 s10, s6  }
0x22: {  	s12 =	sand.u32 @!p1 $0x1FFFFFF, s9  }
0x23: {  	s13 =	smulhi.u32 @!p1 $0x147AE15, s12;
	_ =	sdelay $0x1  }
0x24: {  	s13 =	sshrl.u32 @!p1 s13, $0xE  }
0x25: {  	s13 =	smul.u32 @!p1 $0x320000, s13;
	_ =	sdelay $0x1  }
0x26: {  	s31 =	sadd.s32 $0xFFFFFFFF, s10;
	s14 =	sxor.u32 @!p1 $0xFFFFFFFF, s10;
	s12 =	ssub.s32 @!p1 s12, s13  }
0x27: {  	s15 =	simm.s32 @!p1 $0x80;
	s14 =	sshll.u32 @!p1 s14, $0xC;
	s12 =	sshll.u32 @!p1 s12, $0x4  }
0x28: {  	s13 =	sand.u32 @!p1 $0x1000, s14;
	s14 =	simm.s32 @!p1 $0x20;
	s12 =	sadd.s32 @!p1 s4, s12  }
0x29: {  	[tilespmem:s13], [sflag:$0x1] =	stream.strided.gather @!p1 [hbm4b:s12+s14], $0x1000, s15, s14, $0x38;
	[tilespmem:$0x4040] =	vst v63  }
0x2a: {  	p1 =	sge.u32 s31, s6  }
.Ltmp2:
0x2b: {  	_ = 	snop;
	(pc) =	sbr.rel @p1 .LBB1_5-.Ltmp2, $1  }
0x2c: {  	_ =	sdelay $0x3  }
0x2d: {  	s12 =	simm.s32 $0x1  }
0x2e: {  	_ =	swait.ge [sflag:s5], $0x1000;
	s12 =	simm.s32 @!p0 $0x0  }
0x2f: {  	[sflag:s5] =	ssyncset.done $0x0;
	s13 =	sshll.u32 s12, $0xC  }
0x30: {  	[sflag:s5] =	ssyncadd.s32 $0xFFFFF000;
	s16 =	sor.u32 $0x10, s13  }
0x31: {  	s12 =	smul.u32 $0x4080, s12;
	v1 =	vld [tilespmem:s16+$0x0]  }
0x32: {  	s30 =	sand.u32 $0x1, s10;
	v0 =	vld [tilespmem:s16+$0xFFFFFFF0]  }
0x33: {  	s13 =	smul.u32 $0x4080, s30;
	s12 =	sshrl.u32 s12, $0x2  }
0x34: {  	s14 =	sor.u32 $0x2000, s12  }
0x35: {  	s31 =	sshrl.u32 s13, $0x2;
	s13 =	sadd.s32 $0x0, s14  }
0x36: {  	s15 =	simm.s32 $0x4;
	s16 =	sadd.s32 $0x20, s16;
	s12 =	sor.u32 $0x2000, s31;
	[tilespmem:s13+$0x810 ss:$0x81] =	vst.msk $0xffff, v1  }
.LBB1_3:
0x37: {  	v1 =	vld [tilespmem:s16+$0x0];
	p1 =	sne.s32 s15, $0x1FC;
	[tilespmem:s13+$0x0 ss:$0x81] =	vst.msk $0xffff, v0;
	s13 =	smov.u32 s15;
	s15 =	sadd.s32 $0x4, s15  }
.Ltmp3:
0x38: {  	v0 =	vld [tilespmem:s16+$0xFFFFFFF0];
	(pc) =	sbr.rel @p1 .LBB1_3-.Ltmp3, $4  }
0x39: {  	_ = 	snop  }
0x3a: {  	s13 =	sshra.s32 s13, $0x2  }
0x3b: {  	s13 =	sadd.s32 s13, s14  }
0x3c: {  	s16 =	sadd.s32 $0x20, s16;
	[tilespmem:s13+$0x810 ss:$0x81] =	vst.msk $0xffff, v1  }
.Ltmp4:
0x3d: {  	_ = 	snop;
	(pc) =	sbr.rel .LBB1_4-.Ltmp4, $1  }
0x3e: {  	_ =	sdelay $0x3  }
.LBB1_6:
0x3f: {  	_ =	sfence.sel $0x180000  }
0x40: {  	s2 =	simm.s32 $0x1;
	[bflag:$0x0] =	sbarrier.arrive $0xFFFF  }
0x41: {  	s31 =	simm.s32 $0x2;
	[sflag:s2] =	ssyncpa.u1 $0x1  }
0x42: {  	[sflag:s31] =	ssyncpa.u1 $0x1  }
0x43: {  	p0 =	sne.s32 s0, $0x0;
	_ =	strace $0x9000004A  }
0x44: {  	s0 =	sadd.s32 @!p0 $0x100000, s1;
	[bflag:$0x2] =	sbarrier.arrive $0xFFFF  }
0x45: {  	[sflag:s0] =	ssyncadd.tile.s32 @!p0 $0x1;
	_ =	shalt  }
.Lfunc_end1:
_tile_overlayer_lowered:
.L_overlay_start_2:
0x46: {  	(tag) =	ssettag $0x2  }
0x47: {  	s0 =	rddreg [dreg:$0x0];
	s2 =	stileid.u32  }
0x48: {  	s1 =	rddreg [dreg:$0x1];
	p0 =	sne.s32 s2, $0x0  }
0x49: {  	s3 =	rddreg [dreg:$0x2];
	[bflag:$0x3] =	sbarrier.arrive $0xFFFF;
	s2 =	simm.s32 @!p0 $0x1C01  }
0x4a: {  	[timem:s3], [sflag:s2] =	dma.local @!p0 [hbm:s0], s1  }
0x4b: {  	s0 =	simm.s32 @!p0 $0x1  }
0x4c: {  	_ =	swait.ge @!p0 [sflag:s0], s1  }
0x4d: {  	s1 =	ssub.s32 @!p0 $0x0, s1;
	[sflag:s0] =	ssyncset.done @!p0 $0x0  }
0x4e: {  	[sflag:s0] =	ssyncadd.s32 @!p0 s1  }
0x4f: {  	[bflag:$0x3] =	sbarrier.arrive $0xFFFF  }
0x50: {  	_ =	shalt  }

</sc_bundles>
